<compile_context>
chip_gen: v7x
topology: tpu7x:2x2x1
jax: 0.10.2.dev20260603
libtpu: 0.0.44.dev20260713+nightly
codegen_flags: <defaults>
</compile_context>

<pallas_src>
import jax
import jax.numpy as jnp
from jax import lax
from jax.experimental import pallas as pl
from jax.experimental.pallas import tpu as pltpu
from jax.experimental.pallas import tpu_sc as plsc

N = 10000
E = 320000
D = 128
G = 512

NC = 2
NS = 16
NW = NC * NS
EPS = E // NW
CHUNK = 128
KBUF = 2
NPASS = 2
WCHUNK = 40
NROUNDS = NPASS * WCHUNK // KBUF
NCHUNK = NPASS * WCHUNK
EPAD = NCHUNK * CHUNK
RSWAP = WCHUNK // KBUF
ZROWS = 632
NPAD = ZROWS * NS


def _aggr_body(h_hbm, src_hbm, dst_hbm, zeros_hbm, out_hbm,
               idx_src, idx_dst, b0, b1, s0, s1, acc):
    bufs = (b0, b1)
    ssem = (s0, s1)
    c = lax.axis_index("c")
    s = lax.axis_index("s")
    w = c * NS + s
    pltpu.sync_copy(zeros_hbm.at[pl.ds(s * ZROWS, ZROWS)],
                    acc.at[pl.ds(s * ZROWS, ZROWS)])
    pltpu.sync_copy(src_hbm.at[w].at[0], idx_src)
    pltpu.sync_copy(dst_hbm.at[w].at[0], idx_dst)
    plsc.subcore_barrier()

    @pl.loop(0, NROUNDS)
    def _(r):
        lj = r * KBUF - lax.select(r >= RSWAP, WCHUNK, 0)

        @pl.when(r == RSWAP)
        def _():
            for i in range(KBUF):
                pltpu.make_async_copy(
                    bufs[i], acc.at[idx_dst.at[i]], ssem[i]).wait()
            pltpu.sync_copy(src_hbm.at[w].at[1], idx_src)
            pltpu.sync_copy(dst_hbm.at[w].at[1], idx_dst)

        for i in range(KBUF):
            @pl.when(jnp.logical_and(r > 0, r != RSWAP))
            def _():
                pltpu.make_async_copy(
                    bufs[i], acc.at[idx_dst.at[lj + i]], ssem[i]).wait()

            pltpu.sync_copy(h_hbm.at[idx_src.at[lj + i]], bufs[i])
            pltpu.async_copy(bufs[i], acc.at[idx_dst.at[lj + i]], ssem[i],
                             add=True)

    for i in range(KBUF):
        pltpu.make_async_copy(
            bufs[i], acc.at[idx_dst.at[i]], ssem[i]).wait()

    plsc.subcore_barrier()
    pltpu.sync_copy(acc.at[pl.ds(s * ZROWS, ZROWS)],
                    out_hbm.at[c].at[pl.ds(s * ZROWS, ZROWS)])


@jax.jit
def _aggr_sc(h_pad, srcp, dstp, zeros):
    kern = pl.kernel(
        _aggr_body,
        out_type=jax.ShapeDtypeStruct((NC, NPAD, D), jnp.float32),
        mesh=plsc.VectorSubcoreMesh(
            core_axis_name="c", subcore_axis_name="s",
            num_cores=NC, num_subcores=NS),
        scratch_types=(
            [pltpu.VMEM((WCHUNK, CHUNK), jnp.int32),
             pltpu.VMEM((WCHUNK, CHUNK), jnp.int32)]
            + [pltpu.VMEM((CHUNK, D), jnp.float32)] * KBUF
            + [pltpu.SemaphoreType.DMA] * KBUF
            + [pltpu.VMEM_SHARED((NPAD, D), jnp.float32)]
        ),
    )
    return kern(h_pad, srcp, dstp, zeros)


ROWS_BLK = 2000
GRID = N // ROWS_BLK


def _mlp_body(x_ref, aggr_ref, w1_ref, b1_ref, w2_ref, b2_ref, batch_ref,
              h_ref, pool_ref):
    a = x_ref[...] + aggr_ref[0] + aggr_ref[1]
    z = lax.dot_general(a, w1_ref[...], (((1,), (1,)), ((), ())),
                        preferred_element_type=jnp.float32,
                        precision=lax.Precision.HIGHEST)
    z = jnp.maximum(z + b1_ref[...], 0.0)
    h = lax.dot_general(z, w2_ref[...], (((1,), (1,)), ((), ())),
                        preferred_element_type=jnp.float32,
                        precision=lax.Precision.HIGHEST)
    h = jnp.maximum(h + b2_ref[...], 0.0)
    h_ref[...] = h
    ids = batch_ref[0, 0, :]
    onehot = (ids[:, None] ==
              lax.broadcasted_iota(jnp.int32, (ROWS_BLK, G), 1)
              ).astype(jnp.float32)
    p = lax.dot_general(onehot, h, (((0,), (0,)), ((), ())),
                        preferred_element_type=jnp.float32,
                        precision=lax.Precision.HIGHEST)

    @pl.when(pl.program_id(0) == 0)
    def _():
        pool_ref[...] = jnp.zeros_like(pool_ref)

    pool_ref[...] += p


@jax.jit
def _mlp_tc(x_pad, aggr, w1f, b1f, w2, b2, batch3):
    return pl.pallas_call(
        _mlp_body,
        grid=(GRID,),
        in_specs=[
            pl.BlockSpec((ROWS_BLK, D), lambda r: (r, 0)),
            pl.BlockSpec((NC, ROWS_BLK, D), lambda r: (0, r, 0)),
            pl.BlockSpec((D, D), lambda r: (0, 0)),
            pl.BlockSpec((1, D), lambda r: (0, 0)),
            pl.BlockSpec((D, D), lambda r: (0, 0)),
            pl.BlockSpec((1, D), lambda r: (0, 0)),
            pl.BlockSpec((1, 1, ROWS_BLK), lambda r: (r, 0, 0)),
        ],
        out_specs=[
            pl.BlockSpec((ROWS_BLK, D), lambda r: (r, 0)),
            pl.BlockSpec((G, D), lambda r: (0, 0)),
        ],
        out_shape=[
            jax.ShapeDtypeStruct((NPAD, D), jnp.float32),
            jax.ShapeDtypeStruct((G, D), jnp.float32),
        ],
    )(x_pad, aggr, w1f, b1f, w2, b2, batch3)


def _mlp3_body(x_ref, aggr_ref, w1_ref, b1_ref, w2_ref, b2_ref, batch_ref,
               p1_ref, p2_ref, l1w_ref, l1b_ref, l2w_ref, l2b_ref,
               o_ref, pool_acc):
    a = x_ref[...] + aggr_ref[0] + aggr_ref[1]
    z = lax.dot_general(a, w1_ref[...], (((1,), (1,)), ((), ())),
                        preferred_element_type=jnp.float32,
                        precision=lax.Precision.HIGHEST)
    z = jnp.maximum(z + b1_ref[...], 0.0)
    h = lax.dot_general(z, w2_ref[...], (((1,), (1,)), ((), ())),
                        preferred_element_type=jnp.float32,
                        precision=lax.Precision.HIGHEST)
    h = jnp.maximum(h + b2_ref[...], 0.0)
    ids = batch_ref[0, 0, :]
    onehot = (ids[:, None] ==
              lax.broadcasted_iota(jnp.int32, (ROWS_BLK, G), 1)
              ).astype(jnp.float32)
    p = lax.dot_general(onehot, h, (((0,), (0,)), ((), ())),
                        preferred_element_type=jnp.float32,
                        precision=lax.Precision.HIGHEST)

    @pl.when(pl.program_id(0) == 0)
    def _():
        pool_acc[...] = jnp.zeros_like(pool_acc)

    pool_acc[...] += p

    @pl.when(pl.program_id(0) == GRID - 1)
    def _():
        hc = jnp.concatenate([p1_ref[...], p2_ref[...], pool_acc[...]],
                             axis=1)
        zc = lax.dot_general(hc, l1w_ref[...], (((1,), (1,)), ((), ())),
                             preferred_element_type=jnp.float32,
                             precision=lax.Precision.HIGHEST)
        zc = jnp.maximum(zc + l1b_ref[...], 0.0)
        oc = lax.dot_general(zc, l2w_ref[...], (((1,), (1,)), ((), ())),
                             preferred_element_type=jnp.float32,
                             precision=lax.Precision.HIGHEST)
        o_ref[...] = oc + l2b_ref[...]


@jax.jit
def _mlp3_tc(x_pad, aggr, w1f, b1f, w2, b2, batch3, p1, p2,
             l1w, l1b, l2w, l2b):
    L = 3 * D
    return pl.pallas_call(
        _mlp3_body,
        grid=(GRID,),
        in_specs=[
            pl.BlockSpec((ROWS_BLK, D), lambda r: (r, 0)),
            pl.BlockSpec((NC, ROWS_BLK, D), lambda r: (0, r, 0)),
            pl.BlockSpec((D, D), lambda r: (0, 0)),
            pl.BlockSpec((1, D), lambda r: (0, 0)),
            pl.BlockSpec((D, D), lambda r: (0, 0)),
            pl.BlockSpec((1, D), lambda r: (0, 0)),
            pl.BlockSpec((1, 1, ROWS_BLK), lambda r: (r, 0, 0)),
            pl.BlockSpec((G, D), lambda r: (0, 0)),
            pl.BlockSpec((G, D), lambda r: (0, 0)),
            pl.BlockSpec((L, L), lambda r: (0, 0)),
            pl.BlockSpec((1, L), lambda r: (0, 0)),
            pl.BlockSpec((D, L), lambda r: (0, 0)),
            pl.BlockSpec((1, D), lambda r: (0, 0)),
        ],
        out_specs=pl.BlockSpec((G, D), lambda r: (0, 0)),
        out_shape=jax.ShapeDtypeStruct((G, D), jnp.float32),
        scratch_shapes=[pltpu.VMEM((G, D), jnp.float32)],
    )(x_pad, aggr, w1f, b1f, w2, b2, batch3, p1, p2, l1w, l1b, l2w, l2b)


def _fold_bn(W1, b1, g, be):
    s = g / jnp.sqrt(1.0 + 1e-5)
    return W1 * s[:, None], (b1 * s + be)[None, :]


def kernel(x, edge_index, batch, c1_W1, c1_b1, c1_g, c1_be, c1_W2, c1_b2,
           c2_W1, c2_b1, c2_g, c2_be, c2_W2, c2_b2,
           c3_W1, c3_b1, c3_g, c3_be, c3_W2, c3_b2,
           lin1_W, lin1_b, lin2_W, lin2_b):
    src, dst = edge_index[0], edge_index[1]
    pad_src = (jnp.arange(NW * (EPAD - EPS), dtype=jnp.int32) * 131 + 7) % N
    srcp = jnp.concatenate(
        [src.reshape(NW, EPS), pad_src.reshape(NW, EPAD - EPS)], axis=1
    ).reshape(NW, NPASS, WCHUNK, CHUNK)
    dstp = jnp.pad(dst.reshape(NW, EPS), ((0, 0), (0, EPAD - EPS)),
                   constant_values=N).reshape(NW, NPASS, WCHUNK, CHUNK)
    zeros = jnp.zeros((NPAD, D), jnp.float32)
    batch3 = batch.reshape(GRID, 1, ROWS_BLK)

    x_pad = jnp.pad(x, ((0, NPAD - N), (0, 0)))
    w1f1, b1f1 = _fold_bn(c1_W1, c1_b1, c1_g, c1_be)
    w1f2, b1f2 = _fold_bn(c2_W1, c2_b1, c2_g, c2_be)
    w1f3, b1f3 = _fold_bn(c3_W1, c3_b1, c3_g, c3_be)

    aggr1 = _aggr_sc(x_pad, srcp, dstp, zeros)
    h1, p1 = _mlp_tc(x_pad, aggr1, w1f1, b1f1, c1_W2, c1_b2[None, :], batch3)
    aggr2 = _aggr_sc(h1, srcp, dstp, zeros)
    h2, p2 = _mlp_tc(h1, aggr2, w1f2, b1f2, c2_W2, c2_b2[None, :], batch3)
    aggr3 = _aggr_sc(h2, srcp, dstp, zeros)
    return _mlp3_tc(h2, aggr3, w1f3, b1f3, c3_W2, c3_b2[None, :], batch3,
                    p1, p2, lin1_W, lin1_b[None, :],
                    lin2_W, lin2_b[None, :])

# --- scband reference (transcript-rebuilt; emitter-appended) ---
"""Pipeline reference for scband-gin-14087492731267 (READ-ONLY COPY).

The authoritative reference and input builder live on the scoring server;
editing this copy changes nothing except your own understanding.
"""

import jax, jax.numpy as jnp
import numpy as np

N = 10000
E = 320000
D = 128
H = 128
OUT = 128
G = 512


def _param(key, shape, scale):
    return jax.random.normal(key, shape, dtype=jnp.float32) * scale


def setup_inputs(seed: int = 0):
    key = jax.random.key(seed)
    ks = jax.random.split(key, 40)
    inp = {}
    inp["x"] = jax.random.normal(ks[0], (N, D), dtype=jnp.float32)
    inp["edge_index"] = jax.random.randint(ks[1], (2, E), 0, N, dtype=jnp.int32)
    inp["batch"] = jnp.sort(jax.random.randint(ks[2], (N,), 0, G, dtype=jnp.int32))
    i = 3
    dims = [(D, H), (H, H), (H, H)]
    for c, (fin, fout) in enumerate(dims, start=1):
        inp["c%d_W1" % c] = _param(ks[i], (fout, fin), 1.0 / np.sqrt(fin)); i += 1
        inp["c%d_b1" % c] = jnp.zeros((fout,), jnp.float32)
        inp["c%d_g" % c] = jnp.ones((fout,), jnp.float32)
        inp["c%d_be" % c] = jnp.zeros((fout,), jnp.float32)
        inp["c%d_W2" % c] = _param(ks[i], (fout, fout), 1.0 / np.sqrt(fout)); i += 1
        inp["c%d_b2" % c] = jnp.zeros((fout,), jnp.float32)
    L = 3 * H
    inp["lin1_W"] = _param(ks[i], (L, L), 1.0 / np.sqrt(L)); i += 1
    inp["lin1_b"] = jnp.zeros((L,), jnp.float32)
    inp["lin2_W"] = _param(ks[i], (OUT, L), 1.0 / np.sqrt(L)); i += 1
    inp["lin2_b"] = jnp.zeros((OUT,), jnp.float32)
    return inp


def _mlp(h, W1, b1, g, be, W2, b2):
    h = h @ W1.T + b1
    # BatchNorm1d in eval mode with initial running stats (mean=0, var=1)
    h = h / jnp.sqrt(1.0 + 1e-5) * g + be
    h = jax.nn.relu(h)
    h = h @ W2.T + b2
    h = jax.nn.relu(h)
    return h


def _gin(x, src, dst, W1, b1, g, be, W2, b2):
    # GINConv with eps=0: nn((1+eps)*x + sum_{j in N(i)} x_j)
    aggr = jax.ops.segment_sum(x[src], dst, num_segments=x.shape[0])
    return _mlp(x + aggr, W1, b1, g, be, W2, b2)


def reference(x, edge_index, batch, c1_W1, c1_b1, c1_g, c1_be, c1_W2, c1_b2, c2_W1, c2_b1, c2_g, c2_be, c2_W2, c2_b2, c3_W1, c3_b1, c3_g, c3_be, c3_W2, c3_b2, lin1_W, lin1_b, lin2_W, lin2_b):
    src, dst = edge_index[0], edge_index[1]
    h1 = _gin(x, src, dst, c1_W1, c1_b1, c1_g, c1_be, c1_W2, c1_b2)
    h2 = _gin(h1, src, dst, c2_W1, c2_b1, c2_g, c2_be, c2_W2, c2_b2)
    h3 = _gin(h2, src, dst, c3_W1, c3_b1, c3_g, c3_be, c3_W2, c3_b2)
    p1 = jax.ops.segment_sum(h1, batch, num_segments=G)
    p2 = jax.ops.segment_sum(h2, batch, num_segments=G)
    p3 = jax.ops.segment_sum(h3, batch, num_segments=G)
    h = jnp.concatenate([p1, p2, p3], axis=1)
    h = jax.nn.relu(h @ lin1_W.T + lin1_b)
    # dropout is identity in eval mode
    h = h @ lin2_W.T + lin2_b
    return h

if __name__ == "__main__":
    import jax
    _d = setup_inputs()
    print(jax.jit(kernel)(*tuple(_d.values())))

</pallas_src>

<mosaic_0001>
#map = affine_map<(d0, d1) -> (0, 0)>
#map1 = affine_map<(d0, d1) -> (0, 0, 0, 0)>
#map2 = affine_map<(d0, d1) -> (0, 0, 0)>
module attributes {stable_mosaic.version = 14 : i64} {
  func.func @_aggr_body(%arg0: i32, %arg1: i32, %arg2: memref<10112x128xf32, #tpu.memory_space<hbm>>, %arg3: memref<32x2x40x128xi32, #tpu.memory_space<hbm>>, %arg4: memref<32x2x40x128xi32, #tpu.memory_space<hbm>>, %arg5: memref<10112x128xf32, #tpu.memory_space<hbm>>, %arg6: memref<2x10112x128xf32, #tpu.memory_space<hbm>>, %arg7: memref<40x128xi32, #tpu.memory_space<vmem>>, %arg8: memref<40x128xi32, #tpu.memory_space<vmem>>, %arg9: memref<128x128xf32, #tpu.memory_space<vmem>>, %arg10: memref<128x128xf32, #tpu.memory_space<vmem>>, %arg11: memref<!tpu.dma_semaphore, #tpu.memory_space<semaphore_mem>>, %arg12: memref<!tpu.dma_semaphore, #tpu.memory_space<semaphore_mem>>, %arg13: memref<10112x128xf32, #tpu.memory_space<vmem_shared>>) attributes {dimension_semantics = [#tpu.dimension_semantics<core_parallel>, #tpu.dimension_semantics<subcore_parallel>], iteration_bounds = array<i64: 2, 16>, scalar_prefetch = 0 : i64, scratch_operands = 7 : i64, tpu.core_type = #tpu.core_type<sc_vector_subcore>, window_params = [{transform_indices = #map}, {transform_indices = #map1}, {transform_indices = #map1}, {transform_indices = #map}, {transform_indices = #map2}]} {
    %mul3A = arith.constant 16 : i32
    %mul3A_0 = arith.muli %arg0, %mul3A : i32
    %add3A = arith.addi %mul3A_0, %arg1 : i32
    %mul3A_1 = arith.constant 632 : i32
    %mul3A_2 = arith.muli %arg1, %mul3A_1 : i32
    %mul3A_3 = arith.constant 632 : i32
    %mul3A_4 = arith.muli %arg1, %mul3A_3 : i32
    "tpu.region"() ({
      %run_scoped3A_28 = tpu.sem_alloc : memref<!tpu.dma_semaphore, #tpu.memory_space<semaphore_mem>>
      %dma_start3A = arith.constant 0 : i32
      %dma_start3A_29 = tpu.memref_slice %arg13[%mul3A_4, %dma_start3A] : memref<10112x128xf32, #tpu.memory_space<vmem_shared>> -> memref<632x128xf32, #tpu.memory_space<vmem_shared>>
      %dma_start3A_30 = arith.constant 0 : i32
      %dma_start3A_31 = tpu.memref_slice %arg5[%mul3A_2, %dma_start3A_30] : memref<10112x128xf32, #tpu.memory_space<hbm>> -> memref<632x128xf32, #tpu.memory_space<hbm>>
      tpu.enqueue_dma source(%dma_start3A_31 : memref<632x128xf32, #tpu.memory_space<hbm>>) target(%dma_start3A_29 : memref<632x128xf32, #tpu.memory_space<vmem_shared>>) target_semaphore(%run_scoped3A_28 : memref<!tpu.dma_semaphore, #tpu.memory_space<semaphore_mem>>)
      %dma_wait3A_32 = arith.constant 0 : i32
      %dma_wait3A_33 = tpu.memref_slice %arg13[%mul3A_4, %dma_wait3A_32] : memref<10112x128xf32, #tpu.memory_space<vmem_shared>> -> memref<632x128xf32, #tpu.memory_space<vmem_shared>>
      %dma_wait3A_34 = arith.constant 0 : i32
      %dma_wait3A_35 = tpu.memref_slice %arg5[%mul3A_2, %dma_wait3A_34] : memref<10112x128xf32, #tpu.memory_space<hbm>> -> memref<632x128xf32, #tpu.memory_space<hbm>>
      tpu.wait_dma2 semaphore(%run_scoped3A_28 : memref<!tpu.dma_semaphore, #tpu.memory_space<semaphore_mem>>) src(%dma_wait3A_35 : memref<632x128xf32, #tpu.memory_space<hbm>>) dst(%dma_wait3A_33 : memref<632x128xf32, #tpu.memory_space<vmem_shared>>)
      tpu.yield
    }) : () -> ()
    %run_scoped3A = arith.constant 0 : i32
    "tpu.region"() ({
      %run_scoped3A_28 = tpu.sem_alloc : memref<!tpu.dma_semaphore, #tpu.memory_space<semaphore_mem>>
      %dma_start3A = arith.constant 0 : i32
      %dma_start3A_29 = arith.constant 0 : i32
      %dma_start3A_30 = arith.constant 0 : i32
      %dma_start3A_31 = tpu.memref_slice %arg3[%add3A, %dma_start3A, %dma_start3A_29, %dma_start3A_30] : memref<32x2x40x128xi32, #tpu.memory_space<hbm>> -> memref<1x2x40x128xi32, #tpu.memory_space<hbm>>
      %dma_start3A_32 = tpu.memref_squeeze %dma_start3A_31 : memref<1x2x40x128xi32, #tpu.memory_space<hbm>> -> memref<2x40x128xi32, #tpu.memory_space<hbm>>
      %dma_start3A_33 = arith.constant 0 : i32
      %dma_start3A_34 = arith.constant 0 : i32
      %dma_start3A_35 = tpu.memref_slice %dma_start3A_32[%run_scoped3A, %dma_start3A_33, %dma_start3A_34] : memref<2x40x128xi32, #tpu.memory_space<hbm>> -> memref<1x40x128xi32, #tpu.memory_space<hbm>>
      %dma_start3A_36 = tpu.memref_squeeze %dma_start3A_35 : memref<1x40x128xi32, #tpu.memory_space<hbm>> -> memref<40x128xi32, #tpu.memory_space<hbm>>
      %dma_start3A_37 = arith.constant 0 : i32
      %dma_start3A_38 = arith.constant 0 : i32
      %dma_start3A_39 = arith.constant 0 : i32
      %dma_start3A_40 = tpu.memref_slice %arg3[%add3A, %dma_start3A_37, %dma_start3A_38, %dma_start3A_39] : memref<32x2x40x128xi32, #tpu.memory_space<hbm>> -> memref<1x2x40x128xi32, #tpu.memory_space<hbm>>
      %dma_start3A_41 = tpu.memref_squeeze %dma_start3A_40 : memref<1x2x40x128xi32, #tpu.memory_space<hbm>> -> memref<2x40x128xi32, #tpu.memory_space<hbm>>
      %dma_start3A_42 = arith.constant 0 : i32
      %dma_start3A_43 = arith.constant 0 : i32
      %dma_start3A_44 = tpu.memref_slice %dma_start3A_41[%run_scoped3A, %dma_start3A_42, %dma_start3A_43] : memref<2x40x128xi32, #tpu.memory_space<hbm>> -> memref<1x40x128xi32, #tpu.memory_space<hbm>>
      %dma_start3A_45 = tpu.memref_squeeze %dma_start3A_44 : memref<1x40x128xi32, #tpu.memory_space<hbm>> -> memref<40x128xi32, #tpu.memory_space<hbm>>
      tpu.enqueue_dma source(%dma_start3A_45 : memref<40x128xi32, #tpu.memory_space<hbm>>) target(%arg7 : memref<40x128xi32, #tpu.memory_space<vmem>>) target_semaphore(%run_scoped3A_28 : memref<!tpu.dma_semaphore, #tpu.memory_space<semaphore_mem>>)
      %dma_wait3A_46 = arith.constant 0 : i32
      %dma_wait3A_47 = arith.constant 0 : i32
      %dma_wait3A_48 = arith.constant 0 : i32
      %dma_wait3A_49 = tpu.memref_slice %arg3[%add3A, %dma_wait3A_46, %dma_wait3A_47, %dma_wait3A_48] : memref<32x2x40x128xi32, #tpu.memory_space<hbm>> -> memref<1x2x40x128xi32, #tpu.memory_space<hbm>>
      %dma_wait3A_50 = tpu.memref_squeeze %dma_wait3A_49 : memref<1x2x40x128xi32, #tpu.memory_space<hbm>> -> memref<2x40x128xi32, #tpu.memory_space<hbm>>
      %dma_wait3A_51 = arith.constant 0 : i32
      %dma_wait3A_52 = arith.constant 0 : i32
      %dma_wait3A_53 = tpu.memref_slice %dma_wait3A_50[%run_scoped3A, %dma_wait3A_51, %dma_wait3A_52] : memref<2x40x128xi32, #tpu.memory_space<hbm>> -> memref<1x40x128xi32, #tpu.memory_space<hbm>>
      %dma_wait3A_54 = tpu.memref_squeeze %dma_wait3A_53 : memref<1x40x128xi32, #tpu.memory_space<hbm>> -> memref<40x128xi32, #tpu.memory_space<hbm>>
      %dma_wait3A_55 = arith.constant 0 : i32
      %dma_wait3A_56 = arith.constant 0 : i32
      %dma_wait3A_57 = arith.constant 0 : i32
      %dma_wait3A_58 = tpu.memref_slice %arg3[%add3A, %dma_wait3A_55, %dma_wait3A_56, %dma_wait3A_57] : memref<32x2x40x128xi32, #tpu.memory_space<hbm>> -> memref<1x2x40x128xi32, #tpu.memory_space<hbm>>
      %dma_wait3A_59 = tpu.memref_squeeze %dma_wait3A_58 : memref<1x2x40x128xi32, #tpu.memory_space<hbm>> -> memref<2x40x128xi32, #tpu.memory_space<hbm>>
      %dma_wait3A_60 = arith.constant 0 : i32
      %dma_wait3A_61 = arith.constant 0 : i32
      %dma_wait3A_62 = tpu.memref_slice %dma_wait3A_59[%run_scoped3A, %dma_wait3A_60, %dma_wait3A_61] : memref<2x40x128xi32, #tpu.memory_space<hbm>> -> memref<1x40x128xi32, #tpu.memory_space<hbm>>
      %dma_wait3A_63 = tpu.memref_squeeze %dma_wait3A_62 : memref<1x40x128xi32, #tpu.memory_space<hbm>> -> memref<40x128xi32, #tpu.memory_space<hbm>>
      tpu.wait_dma2 semaphore(%run_scoped3A_28 : memref<!tpu.dma_semaphore, #tpu.memory_space<semaphore_mem>>) src(%dma_wait3A_63 : memref<40x128xi32, #tpu.memory_space<hbm>>) dst(%arg7 : memref<40x128xi32, #tpu.memory_space<vmem>>)
      tpu.yield
    }) : () -> ()
    %run_scoped3A_5 = arith.constant 0 : i32
    "tpu.region"() ({
      %run_scoped3A_28 = tpu.sem_alloc : memref<!tpu.dma_semaphore, #tpu.memory_space<semaphore_mem>>
      %dma_start3A = arith.constant 0 : i32
      %dma_start3A_29 = arith.constant 0 : i32
      %dma_start3A_30 = arith.constant 0 : i32
      %dma_start3A_31 = tpu.memref_slice %arg4[%add3A, %dma_start3A, %dma_start3A_29, %dma_start3A_30] : memref<32x2x40x128xi32, #tpu.memory_space<hbm>> -> memref<1x2x40x128xi32, #tpu.memory_space<hbm>>
      %dma_start3A_32 = tpu.memref_squeeze %dma_start3A_31 : memref<1x2x40x128xi32, #tpu.memory_space<hbm>> -> memref<2x40x128xi32, #tpu.memory_space<hbm>>
      %dma_start3A_33 = arith.constant 0 : i32
      %dma_start3A_34 = arith.constant 0 : i32
      %dma_start3A_35 = tpu.memref_slice %dma_start3A_32[%run_scoped3A_5, %dma_start3A_33, %dma_start3A_34] : memref<2x40x128xi32, #tpu.memory_space<hbm>> -> memref<1x40x128xi32, #tpu.memory_space<hbm>>
      %dma_start3A_36 = tpu.memref_squeeze %dma_start3A_35 : memref<1x40x128xi32, #tpu.memory_space<hbm>> -> memref<40x128xi32, #tpu.memory_space<hbm>>
      %dma_start3A_37 = arith.constant 0 : i32
      %dma_start3A_38 = arith.constant 0 : i32
      %dma_start3A_39 = arith.constant 0 : i32
      %dma_start3A_40 = tpu.memref_slice %arg4[%add3A, %dma_start3A_37, %dma_start3A_38, %dma_start3A_39] : memref<32x2x40x128xi32, #tpu.memory_space<hbm>> -> memref<1x2x40x128xi32, #tpu.memory_space<hbm>>
      %dma_start3A_41 = tpu.memref_squeeze %dma_start3A_40 : memref<1x2x40x128xi32, #tpu.memory_space<hbm>> -> memref<2x40x128xi32, #tpu.memory_space<hbm>>
      %dma_start3A_42 = arith.constant 0 : i32
      %dma_start3A_43 = arith.constant 0 : i32
      %dma_start3A_44 = tpu.memref_slice %dma_start3A_41[%run_scoped3A_5, %dma_start3A_42, %dma_start3A_43] : memref<2x40x128xi32, #tpu.memory_space<hbm>> -> memref<1x40x128xi32, #tpu.memory_space<hbm>>
      %dma_start3A_45 = tpu.memref_squeeze %dma_start3A_44 : memref<1x40x128xi32, #tpu.memory_space<hbm>> -> memref<40x128xi32, #tpu.memory_space<hbm>>
      tpu.enqueue_dma source(%dma_start3A_45 : memref<40x128xi32, #tpu.memory_space<hbm>>) target(%arg8 : memref<40x128xi32, #tpu.memory_space<vmem>>) target_semaphore(%run_scoped3A_28 : memref<!tpu.dma_semaphore, #tpu.memory_space<semaphore_mem>>)
      %dma_wait3A_46 = arith.constant 0 : i32
      %dma_wait3A_47 = arith.constant 0 : i32
      %dma_wait3A_48 = arith.constant 0 : i32
      %dma_wait3A_49 = tpu.memref_slice %arg4[%add3A, %dma_wait3A_46, %dma_wait3A_47, %dma_wait3A_48] : memref<32x2x40x128xi32, #tpu.memory_space<hbm>> -> memref<1x2x40x128xi32, #tpu.memory_space<hbm>>
      %dma_wait3A_50 = tpu.memref_squeeze %dma_wait3A_49 : memref<1x2x40x128xi32, #tpu.memory_space<hbm>> -> memref<2x40x128xi32, #tpu.memory_space<hbm>>
      %dma_wait3A_51 = arith.constant 0 : i32
      %dma_wait3A_52 = arith.constant 0 : i32
      %dma_wait3A_53 = tpu.memref_slice %dma_wait3A_50[%run_scoped3A_5, %dma_wait3A_51, %dma_wait3A_52] : memref<2x40x128xi32, #tpu.memory_space<hbm>> -> memref<1x40x128xi32, #tpu.memory_space<hbm>>
      %dma_wait3A_54 = tpu.memref_squeeze %dma_wait3A_53 : memref<1x40x128xi32, #tpu.memory_space<hbm>> -> memref<40x128xi32, #tpu.memory_space<hbm>>
      %dma_wait3A_55 = arith.constant 0 : i32
      %dma_wait3A_56 = arith.constant 0 : i32
      %dma_wait3A_57 = arith.constant 0 : i32
      %dma_wait3A_58 = tpu.memref_slice %arg4[%add3A, %dma_wait3A_55, %dma_wait3A_56, %dma_wait3A_57] : memref<32x2x40x128xi32, #tpu.memory_space<hbm>> -> memref<1x2x40x128xi32, #tpu.memory_space<hbm>>
      %dma_wait3A_59 = tpu.memref_squeeze %dma_wait3A_58 : memref<1x2x40x128xi32, #tpu.memory_space<hbm>> -> memref<2x40x128xi32, #tpu.memory_space<hbm>>
      %dma_wait3A_60 = arith.constant 0 : i32
      %dma_wait3A_61 = arith.constant 0 : i32
      %dma_wait3A_62 = tpu.memref_slice %dma_wait3A_59[%run_scoped3A_5, %dma_wait3A_60, %dma_wait3A_61] : memref<2x40x128xi32, #tpu.memory_space<hbm>> -> memref<1x40x128xi32, #tpu.memory_space<hbm>>
      %dma_wait3A_63 = tpu.memref_squeeze %dma_wait3A_62 : memref<1x40x128xi32, #tpu.memory_space<hbm>> -> memref<40x128xi32, #tpu.memory_space<hbm>>
      tpu.wait_dma2 semaphore(%run_scoped3A_28 : memref<!tpu.dma_semaphore, #tpu.memory_space<semaphore_mem>>) src(%dma_wait3A_63 : memref<40x128xi32, #tpu.memory_space<hbm>>) dst(%arg8 : memref<40x128xi32, #tpu.memory_space<vmem>>)
      tpu.yield
    }) : () -> ()
    %barrier3A = arith.constant 0 : index
    tpu.barrier barrier_id(%barrier3A)
    %scan3A = arith.constant 0 : i32
    %scan3A_6 = arith.constant 40 : i32
    %scan3A_7 = arith.addi %scan3A, %scan3A_6 : i32
    %scan3A_8 = arith.constant 1 : i32
    scf.for %scan3A_28 = %scan3A to %scan3A_7 step %scan3A_8  : i32 {
      %mul3A_29 = arith.constant 1 : i32
      %mul3A_30 = arith.muli %scan3A_28, %mul3A_29 : i32
      %add3A_31 = arith.constant 0 : i32
      %add3A_32 = arith.addi %add3A_31, %mul3A_30 : i32
      %mul3A_33 = arith.constant 2 : i32
      %mul3A_34 = arith.muli %add3A_32, %mul3A_33 : i32
      %ge3A = arith.constant 20 : i32
      %ge3A_35 = arith.cmpi sge, %add3A_32, %ge3A : i32
      %select_n3A = arith.constant 0 : i32
      %select_n3A_36 = arith.constant 40 : i32
      %select_n3A_37 = arith.select %ge3A_35, %select_n3A_36, %select_n3A : i32
      %sub3A = arith.subi %mul3A_34, %select_n3A_37 : i32
      %eq3A = arith.constant 20 : i32
      %eq3A_38 = arith.cmpi eq, %add3A_32, %eq3A : i32
      %convert_element_type3A = arith.extui %eq3A_38 : i1 to i32
      %cond3A = arith.constant 0 : i32
      %cond3A_39 = arith.cmpi ne, %convert_element_type3A, %cond3A : i32
      scf.if %cond3A_39 {
        %dma_wait3A_72 = arith.constant 0 : i32
        %dma_wait3A_73 = arith.constant 0 : i32
        %dma_wait3A_74 = tpu.memref_slice %arg8[%dma_wait3A_72, %dma_wait3A_73] : memref<40x128xi32, #tpu.memory_space<vmem>> -> memref<1x128xi32, #tpu.memory_space<vmem>>
        %dma_wait3A_75 = tpu.memref_squeeze %dma_wait3A_74 : memref<1x128xi32, #tpu.memory_space<vmem>> -> memref<128xi32, #tpu.memory_space<vmem>>
        %dma_wait3A_76 = arith.constant 0 : i32
        %dma_wait3A_77 = arith.constant 0 : i32
        %dma_wait3A_78 = tpu.memref_slice %arg13[%dma_wait3A_76, %dma_wait3A_77] : memref<10112x128xf32, #tpu.memory_space<vmem_shared>> -> memref<10112x128xf32, #tpu.memory_space<vmem_shared>>
        tpu.wait_indirect_dma semaphore(%arg11 : memref<!tpu.dma_semaphore, #tpu.memory_space<semaphore_mem>>) src(%arg9 : memref<128x128xf32, #tpu.memory_space<vmem>>) dst(%dma_wait3A_78 : memref<10112x128xf32, #tpu.memory_space<vmem_shared>>)
        %dma_wait3A_79 = arith.constant 1 : i32
        %dma_wait3A_80 = arith.constant 0 : i32
        %dma_wait3A_81 = tpu.memref_slice %arg8[%dma_wait3A_79, %dma_wait3A_80] : memref<40x128xi32, #tpu.memory_space<vmem>> -> memref<1x128xi32, #tpu.memory_space<vmem>>
        %dma_wait3A_82 = tpu.memref_squeeze %dma_wait3A_81 : memref<1x128xi32, #tpu.memory_space<vmem>> -> memref<128xi32, #tpu.memory_space<vmem>>
        %dma_wait3A_83 = arith.constant 0 : i32
        %dma_wait3A_84 = arith.constant 0 : i32
        %dma_wait3A_85 = tpu.memref_slice %arg13[%dma_wait3A_83, %dma_wait3A_84] : memref<10112x128xf32, #tpu.memory_space<vmem_shared>> -> memref<10112x128xf32, #tpu.memory_space<vmem_shared>>
        tpu.wait_indirect_dma semaphore(%arg12 : memref<!tpu.dma_semaphore, #tpu.memory_space<semaphore_mem>>) src(%arg10 : memref<128x128xf32, #tpu.memory_space<vmem>>) dst(%dma_wait3A_85 : memref<10112x128xf32, #tpu.memory_space<vmem_shared>>)
        %run_scoped3A_86 = arith.constant 1 : i32
        "tpu.region"() ({
          %run_scoped3A_88 = tpu.sem_alloc : memref<!tpu.dma_semaphore, #tpu.memory_space<semaphore_mem>>
          %dma_start3A_89 = arith.constant 0 : i32
          %dma_start3A_90 = arith.constant 0 : i32
          %dma_start3A_91 = arith.constant 0 : i32
          %dma_start3A_92 = tpu.memref_slice %arg3[%add3A, %dma_start3A_89, %dma_start3A_90, %dma_start3A_91] : memref<32x2x40x128xi32, #tpu.memory_space<hbm>> -> memref<1x2x40x128xi32, #tpu.memory_space<hbm>>
          %dma_start3A_93 = tpu.memref_squeeze %dma_start3A_92 : memref<1x2x40x128xi32, #tpu.memory_space<hbm>> -> memref<2x40x128xi32, #tpu.memory_space<hbm>>
          %dma_start3A_94 = arith.constant 0 : i32
          %dma_start3A_95 = arith.constant 0 : i32
          %dma_start3A_96 = tpu.memref_slice %dma_start3A_93[%run_scoped3A_86, %dma_start3A_94, %dma_start3A_95] : memref<2x40x128xi32, #tpu.memory_space<hbm>> -> memref<1x40x128xi32, #tpu.memory_space<hbm>>
          %dma_start3A_97 = tpu.memref_squeeze %dma_start3A_96 : memref<1x40x128xi32, #tpu.memory_space<hbm>> -> memref<40x128xi32, #tpu.memory_space<hbm>>
          %dma_start3A_98 = arith.constant 0 : i32
          %dma_start3A_99 = arith.constant 0 : i32
          %dma_start3A_100 = arith.constant 0 : i32
          %dma_start3A_101 = tpu.memref_slice %arg3[%add3A, %dma_start3A_98, %dma_start3A_99, %dma_start3A_100] : memref<32x2x40x128xi32, #tpu.memory_space<hbm>> -> memref<1x2x40x128xi32, #tpu.memory_space<hbm>>
          %dma_start3A_102 = tpu.memref_squeeze %dma_start3A_101 : memref<1x2x40x128xi32, #tpu.memory_space<hbm>> -> memref<2x40x128xi32, #tpu.memory_space<hbm>>
          %dma_start3A_103 = arith.constant 0 : i32
          %dma_start3A_104 = arith.constant 0 : i32
          %dma_start3A_105 = tpu.memref_slice %dma_start3A_102[%run_scoped3A_86, %dma_start3A_103, %dma_start3A_104] : memref<2x40x128xi32, #tpu.memory_space<hbm>> -> memref<1x40x128xi32, #tpu.memory_space<hbm>>
          %dma_start3A_106 = tpu.memref_squeeze %dma_start3A_105 : memref<1x40x128xi32, #tpu.memory_space<hbm>> -> memref<40x128xi32, #tpu.memory_space<hbm>>
          tpu.enqueue_dma source(%dma_start3A_106 : memref<40x128xi32, #tpu.memory_space<hbm>>) target(%arg7 : memref<40x128xi32, #tpu.memory_space<vmem>>) target_semaphore(%run_scoped3A_88 : memref<!tpu.dma_semaphore, #tpu.memory_space<semaphore_mem>>)
          %dma_wait3A_107 = arith.constant 0 : i32
          %dma_wait3A_108 = arith.constant 0 : i32
          %dma_wait3A_109 = arith.constant 0 : i32
          %dma_wait3A_110 = tpu.memref_slice %arg3[%add3A, %dma_wait3A_107, %dma_wait3A_108, %dma_wait3A_109] : memref<32x2x40x128xi32, #tpu.memory_space<hbm>> -> memref<1x2x40x128xi32, #tpu.memory_space<hbm>>
          %dma_wait3A_111 = tpu.memref_squeeze %dma_wait3A_110 : memref<1x2x40x128xi32, #tpu.memory_space<hbm>> -> memref<2x40x128xi32, #tpu.memory_space<hbm>>
          %dma_wait3A_112 = arith.constant 0 : i32
          %dma_wait3A_113 = arith.constant 0 : i32
          %dma_wait3A_114 = tpu.memref_slice %dma_wait3A_111[%run_scoped3A_86, %dma_wait3A_112, %dma_wait3A_113] : memref<2x40x128xi32, #tpu.memory_space<hbm>> -> memref<1x40x128xi32, #tpu.memory_space<hbm>>
          %dma_wait3A_115 = tpu.memref_squeeze %dma_wait3A_114 : memref<1x40x128xi32, #tpu.memory_space<hbm>> -> memref<40x128xi32, #tpu.memory_space<hbm>>
          %dma_wait3A_116 = arith.constant 0 : i32
          %dma_wait3A_117 = arith.constant 0 : i32
          %dma_wait3A_118 = arith.constant 0 : i32
          %dma_wait3A_119 = tpu.memref_slice %arg3[%add3A, %dma_wait3A_116, %dma_wait3A_117, %dma_wait3A_118] : memref<32x2x40x128xi32, #tpu.memory_space<hbm>> -> memref<1x2x40x128xi32, #tpu.memory_space<hbm>>
          %dma_wait3A_120 = tpu.memref_squeeze %dma_wait3A_119 : memref<1x2x40x128xi32, #tpu.memory_space<hbm>> -> memref<2x40x128xi32, #tpu.memory_space<hbm>>
          %dma_wait3A_121 = arith.constant 0 : i32
          %dma_wait3A_122 = arith.constant 0 : i32
          %dma_wait3A_123 = tpu.memref_slice %dma_wait3A_120[%run_scoped3A_86, %dma_wait3A_121, %dma_wait3A_122] : memref<2x40x128xi32, #tpu.memory_space<hbm>> -> memref<1x40x128xi32, #tpu.memory_space<hbm>>
          %dma_wait3A_124 = tpu.memref_squeeze %dma_wait3A_123 : memref<1x40x128xi32, #tpu.memory_space<hbm>> -> memref<40x128xi32, #tpu.memory_space<hbm>>
          tpu.wait_dma2 semaphore(%run_scoped3A_88 : memref<!tpu.dma_semaphore, #tpu.memory_space<semaphore_mem>>) src(%dma_wait3A_124 : memref<40x128xi32, #tpu.memory_space<hbm>>) dst(%arg7 : memref<40x128xi32, #tpu.memory_space<vmem>>)
          tpu.yield
        }) : () -> ()
        %run_scoped3A_87 = arith.constant 1 : i32
        "tpu.region"() ({
          %run_scoped3A_88 = tpu.sem_alloc : memref<!tpu.dma_semaphore, #tpu.memory_space<semaphore_mem>>
          %dma_start3A_89 = arith.constant 0 : i32
          %dma_start3A_90 = arith.constant 0 : i32
          %dma_start3A_91 = arith.constant 0 : i32
          %dma_start3A_92 = tpu.memref_slice %arg4[%add3A, %dma_start3A_89, %dma_start3A_90, %dma_start3A_91] : memref<32x2x40x128xi32, #tpu.memory_space<hbm>> -> memref<1x2x40x128xi32, #tpu.memory_space<hbm>>
          %dma_start3A_93 = tpu.memref_squeeze %dma_start3A_92 : memref<1x2x40x128xi32, #tpu.memory_space<hbm>> -> memref<2x40x128xi32, #tpu.memory_space<hbm>>
          %dma_start3A_94 = arith.constant 0 : i32
          %dma_start3A_95 = arith.constant 0 : i32
          %dma_start3A_96 = tpu.memref_slice %dma_start3A_93[%run_scoped3A_87, %dma_start3A_94, %dma_start3A_95] : memref<2x40x128xi32, #tpu.memory_space<hbm>> -> memref<1x40x128xi32, #tpu.memory_space<hbm>>
          %dma_start3A_97 = tpu.memref_squeeze %dma_start3A_96 : memref<1x40x128xi32, #tpu.memory_space<hbm>> -> memref<40x128xi32, #tpu.memory_space<hbm>>
          %dma_start3A_98 = arith.constant 0 : i32
          %dma_start3A_99 = arith.constant 0 : i32
          %dma_start3A_100 = arith.constant 0 : i32
          %dma_start3A_101 = tpu.memref_slice %arg4[%add3A, %dma_start3A_98, %dma_start3A_99, %dma_start3A_100] : memref<32x2x40x128xi32, #tpu.memory_space<hbm>> -> memref<1x2x40x128xi32, #tpu.memory_space<hbm>>
          %dma_start3A_102 = tpu.memref_squeeze %dma_start3A_101 : memref<1x2x40x128xi32, #tpu.memory_space<hbm>> -> memref<2x40x128xi32, #tpu.memory_space<hbm>>
          %dma_start3A_103 = arith.constant 0 : i32
          %dma_start3A_104 = arith.constant 0 : i32
          %dma_start3A_105 = tpu.memref_slice %dma_start3A_102[%run_scoped3A_87, %dma_start3A_103, %dma_start3A_104] : memref<2x40x128xi32, #tpu.memory_space<hbm>> -> memref<1x40x128xi32, #tpu.memory_space<hbm>>
          %dma_start3A_106 = tpu.memref_squeeze %dma_start3A_105 : memref<1x40x128xi32, #tpu.memory_space<hbm>> -> memref<40x128xi32, #tpu.memory_space<hbm>>
          tpu.enqueue_dma source(%dma_start3A_106 : memref<40x128xi32, #tpu.memory_space<hbm>>) target(%arg8 : memref<40x128xi32, #tpu.memory_space<vmem>>) target_semaphore(%run_scoped3A_88 : memref<!tpu.dma_semaphore, #tpu.memory_space<semaphore_mem>>)
          %dma_wait3A_107 = arith.constant 0 : i32
          %dma_wait3A_108 = arith.constant 0 : i32
          %dma_wait3A_109 = arith.constant 0 : i32
          %dma_wait3A_110 = tpu.memref_slice %arg4[%add3A, %dma_wait3A_107, %dma_wait3A_108, %dma_wait3A_109] : memref<32x2x40x128xi32, #tpu.memory_space<hbm>> -> memref<1x2x40x128xi32, #tpu.memory_space<hbm>>
          %dma_wait3A_111 = tpu.memref_squeeze %dma_wait3A_110 : memref<1x2x40x128xi32, #tpu.memory_space<hbm>> -> memref<2x40x128xi32, #tpu.memory_space<hbm>>
          %dma_wait3A_112 = arith.constant 0 : i32
          %dma_wait3A_113 = arith.constant 0 : i32
          %dma_wait3A_114 = tpu.memref_slice %dma_wait3A_111[%run_scoped3A_87, %dma_wait3A_112, %dma_wait3A_113] : memref<2x40x128xi32, #tpu.memory_space<hbm>> -> memref<1x40x128xi32, #tpu.memory_space<hbm>>
          %dma_wait3A_115 = tpu.memref_squeeze %dma_wait3A_114 : memref<1x40x128xi32, #tpu.memory_space<hbm>> -> memref<40x128xi32, #tpu.memory_space<hbm>>
          %dma_wait3A_116 = arith.constant 0 : i32
          %dma_wait3A_117 = arith.constant 0 : i32
          %dma_wait3A_118 = arith.constant 0 : i32
          %dma_wait3A_119 = tpu.memref_slice %arg4[%add3A, %dma_wait3A_116, %dma_wait3A_117, %dma_wait3A_118] : memref<32x2x40x128xi32, #tpu.memory_space<hbm>> -> memref<1x2x40x128xi32, #tpu.memory_space<hbm>>
          %dma_wait3A_120 = tpu.memref_squeeze %dma_wait3A_119 : memref<1x2x40x128xi32, #tpu.memory_space<hbm>> -> memref<2x40x128xi32, #tpu.memory_space<hbm>>
          %dma_wait3A_121 = arith.constant 0 : i32
          %dma_wait3A_122 = arith.constant 0 : i32
          %dma_wait3A_123 = tpu.memref_slice %dma_wait3A_120[%run_scoped3A_87, %dma_wait3A_121, %dma_wait3A_122] : memref<2x40x128xi32, #tpu.memory_space<hbm>> -> memref<1x40x128xi32, #tpu.memory_space<hbm>>
          %dma_wait3A_124 = tpu.memref_squeeze %dma_wait3A_123 : memref<1x40x128xi32, #tpu.memory_space<hbm>> -> memref<40x128xi32, #tpu.memory_space<hbm>>
          tpu.wait_dma2 semaphore(%run_scoped3A_88 : memref<!tpu.dma_semaphore, #tpu.memory_space<semaphore_mem>>) src(%dma_wait3A_124 : memref<40x128xi32, #tpu.memory_space<hbm>>) dst(%arg8 : memref<40x128xi32, #tpu.memory_space<vmem>>)
          tpu.yield
        }) : () -> ()
      } else {
      }
      %gt3A = arith.constant 0 : i32
      %gt3A_40 = arith.cmpi sgt, %add3A_32, %gt3A : i32
      %ne3A = arith.constant 20 : i32
      %ne3A_41 = arith.cmpi ne, %add3A_32, %ne3A : i32
      %and3A = arith.andi %gt3A_40, %ne3A_41 : i1
      %convert_element_type3A_42 = arith.extui %and3A : i1 to i32
      %cond3A_43 = arith.constant 0 : i32
      %cond3A_44 = arith.cmpi ne, %convert_element_type3A_42, %cond3A_43 : i32
      scf.if %cond3A_44 {
        %add3A_72 = arith.constant 0 : i32
        %add3A_73 = arith.addi %sub3A, %add3A_72 : i32
        %dma_wait3A_74 = arith.constant 0 : i32
        %dma_wait3A_75 = tpu.memref_slice %arg8[%add3A_73, %dma_wait3A_74] : memref<40x128xi32, #tpu.memory_space<vmem>> -> memref<1x128xi32, #tpu.memory_space<vmem>>
        %dma_wait3A_76 = tpu.memref_squeeze %dma_wait3A_75 : memref<1x128xi32, #tpu.memory_space<vmem>> -> memref<128xi32, #tpu.memory_space<vmem>>
        %dma_wait3A_77 = arith.constant 0 : i32
        %dma_wait3A_78 = arith.constant 0 : i32
        %dma_wait3A_79 = tpu.memref_slice %arg13[%dma_wait3A_77, %dma_wait3A_78] : memref<10112x128xf32, #tpu.memory_space<vmem_shared>> -> memref<10112x128xf32, #tpu.memory_space<vmem_shared>>
        tpu.wait_indirect_dma semaphore(%arg11 : memref<!tpu.dma_semaphore, #tpu.memory_space<semaphore_mem>>) src(%arg9 : memref<128x128xf32, #tpu.memory_space<vmem>>) dst(%dma_wait3A_79 : memref<10112x128xf32, #tpu.memory_space<vmem_shared>>)
      } else {
      }
      %add3A_45 = arith.constant 0 : i32
      %add3A_46 = arith.addi %sub3A, %add3A_45 : i32
      "tpu.region"() ({
        %run_scoped3A_72 = tpu.sem_alloc : memref<!tpu.dma_semaphore, #tpu.memory_space<semaphore_mem>>
        %dma_start3A_73 = arith.constant 0 : i32
        %dma_start3A_74 = tpu.memref_slice %arg7[%add3A_46, %dma_start3A_73] : memref<40x128xi32, #tpu.memory_space<vmem>> -> memref<1x128xi32, #tpu.memory_space<vmem>>
        %dma_start3A_75 = tpu.memref_squeeze %dma_start3A_74 : memref<1x128xi32, #tpu.memory_space<vmem>> -> memref<128xi32, #tpu.memory_space<vmem>>
        %dma_start3A_76 = arith.constant 0 : i32
        %dma_start3A_77 = arith.constant 0 : i32
        %dma_start3A_78 = tpu.memref_slice %arg2[%dma_start3A_76, %dma_start3A_77] : memref<10112x128xf32, #tpu.memory_space<hbm>> -> memref<10112x128xf32, #tpu.memory_space<hbm>>
        tpu.enqueue_indirect_dma source(%dma_start3A_78 : memref<10112x128xf32, #tpu.memory_space<hbm>>) target(%arg9 : memref<128x128xf32, #tpu.memory_space<vmem>>) offsets(%dma_start3A_75 : memref<128xi32, #tpu.memory_space<vmem>>) semaphore(%run_scoped3A_72 : memref<!tpu.dma_semaphore, #tpu.memory_space<semaphore_mem>>)
        %dma_wait3A_79 = arith.constant 0 : i32
        %dma_wait3A_80 = tpu.memref_slice %arg7[%add3A_46, %dma_wait3A_79] : memref<40x128xi32, #tpu.memory_space<vmem>> -> memref<1x128xi32, #tpu.memory_space<vmem>>
        %dma_wait3A_81 = tpu.memref_squeeze %dma_wait3A_80 : memref<1x128xi32, #tpu.memory_space<vmem>> -> memref<128xi32, #tpu.memory_space<vmem>>
        %dma_wait3A_82 = arith.constant 0 : i32
        %dma_wait3A_83 = arith.constant 0 : i32
        %dma_wait3A_84 = tpu.memref_slice %arg2[%dma_wait3A_82, %dma_wait3A_83] : memref<10112x128xf32, #tpu.memory_space<hbm>> -> memref<10112x128xf32, #tpu.memory_space<hbm>>
        tpu.wait_indirect_dma semaphore(%run_scoped3A_72 : memref<!tpu.dma_semaphore, #tpu.memory_space<semaphore_mem>>) src(%dma_wait3A_84 : memref<10112x128xf32, #tpu.memory_space<hbm>>) dst(%arg9 : memref<128x128xf32, #tpu.memory_space<vmem>>)
        tpu.yield
      }) : () -> ()
      %add3A_47 = arith.constant 0 : i32
      %add3A_48 = arith.addi %sub3A, %add3A_47 : i32
      %dma_start3A = arith.constant 0 : i32
      %dma_start3A_49 = tpu.memref_slice %arg8[%add3A_48, %dma_start3A] : memref<40x128xi32, #tpu.memory_space<vmem>> -> memref<1x128xi32, #tpu.memory_space<vmem>>
      %dma_start3A_50 = tpu.memref_squeeze %dma_start3A_49 : memref<1x128xi32, #tpu.memory_space<vmem>> -> memref<128xi32, #tpu.memory_space<vmem>>
      %dma_start3A_51 = arith.constant 0 : i32
      %dma_start3A_52 = arith.constant 0 : i32
      %dma_start3A_53 = tpu.memref_slice %arg13[%dma_start3A_51, %dma_start3A_52] : memref<10112x128xf32, #tpu.memory_space<vmem_shared>> -> memref<10112x128xf32, #tpu.memory_space<vmem_shared>>
      tpu.enqueue_indirect_dma source(%arg9 : memref<128x128xf32, #tpu.memory_space<vmem>>) target(%dma_start3A_53 : memref<10112x128xf32, #tpu.memory_space<vmem_shared>>) offsets(%dma_start3A_50 : memref<128xi32, #tpu.memory_space<vmem>>) semaphore(%arg11 : memref<!tpu.dma_semaphore, #tpu.memory_space<semaphore_mem>>) {add = true}
      %gt3A_54 = arith.constant 0 : i32
      %gt3A_55 = arith.cmpi sgt, %add3A_32, %gt3A_54 : i32
      %ne3A_56 = arith.constant 20 : i32
      %ne3A_57 = arith.cmpi ne, %add3A_32, %ne3A_56 : i32
      %and3A_58 = arith.andi %gt3A_55, %ne3A_57 : i1
      %convert_element_type3A_59 = arith.extui %and3A_58 : i1 to i32
      %cond3A_60 = arith.constant 0 : i32
      %cond3A_61 = arith.cmpi ne, %convert_element_type3A_59, %cond3A_60 : i32
      scf.if %cond3A_61 {
        %add3A_72 = arith.constant 1 : i32
        %add3A_73 = arith.addi %sub3A, %add3A_72 : i32
        %dma_wait3A_74 = arith.constant 0 : i32
        %dma_wait3A_75 = tpu.memref_slice %arg8[%add3A_73, %dma_wait3A_74] : memref<40x128xi32, #tpu.memory_space<vmem>> -> memref<1x128xi32, #tpu.memory_space<vmem>>
        %dma_wait3A_76 = tpu.memref_squeeze %dma_wait3A_75 : memref<1x128xi32, #tpu.memory_space<vmem>> -> memref<128xi32, #tpu.memory_space<vmem>>
        %dma_wait3A_77 = arith.constant 0 : i32
        %dma_wait3A_78 = arith.constant 0 : i32
        %dma_wait3A_79 = tpu.memref_slice %arg13[%dma_wait3A_77, %dma_wait3A_78] : memref<10112x128xf32, #tpu.memory_space<vmem_shared>> -> memref<10112x128xf32, #tpu.memory_space<vmem_shared>>
        tpu.wait_indirect_dma semaphore(%arg12 : memref<!tpu.dma_semaphore, #tpu.memory_space<semaphore_mem>>) src(%arg10 : memref<128x128xf32, #tpu.memory_space<vmem>>) dst(%dma_wait3A_79 : memref<10112x128xf32, #tpu.memory_space<vmem_shared>>)
      } else {
      }
      %add3A_62 = arith.constant 1 : i32
      %add3A_63 = arith.addi %sub3A, %add3A_62 : i32
      "tpu.region"() ({
        %run_scoped3A_72 = tpu.sem_alloc : memref<!tpu.dma_semaphore, #tpu.memory_space<semaphore_mem>>
        %dma_start3A_73 = arith.constant 0 : i32
        %dma_start3A_74 = tpu.memref_slice %arg7[%add3A_63, %dma_start3A_73] : memref<40x128xi32, #tpu.memory_space<vmem>> -> memref<1x128xi32, #tpu.memory_space<vmem>>
        %dma_start3A_75 = tpu.memref_squeeze %dma_start3A_74 : memref<1x128xi32, #tpu.memory_space<vmem>> -> memref<128xi32, #tpu.memory_space<vmem>>
        %dma_start3A_76 = arith.constant 0 : i32
        %dma_start3A_77 = arith.constant 0 : i32
        %dma_start3A_78 = tpu.memref_slice %arg2[%dma_start3A_76, %dma_start3A_77] : memref<10112x128xf32, #tpu.memory_space<hbm>> -> memref<10112x128xf32, #tpu.memory_space<hbm>>
        tpu.enqueue_indirect_dma source(%dma_start3A_78 : memref<10112x128xf32, #tpu.memory_space<hbm>>) target(%arg10 : memref<128x128xf32, #tpu.memory_space<vmem>>) offsets(%dma_start3A_75 : memref<128xi32, #tpu.memory_space<vmem>>) semaphore(%run_scoped3A_72 : memref<!tpu.dma_semaphore, #tpu.memory_space<semaphore_mem>>)
        %dma_wait3A_79 = arith.constant 0 : i32
        %dma_wait3A_80 = tpu.memref_slice %arg7[%add3A_63, %dma_wait3A_79] : memref<40x128xi32, #tpu.memory_space<vmem>> -> memref<1x128xi32, #tpu.memory_space<vmem>>
        %dma_wait3A_81 = tpu.memref_squeeze %dma_wait3A_80 : memref<1x128xi32, #tpu.memory_space<vmem>> -> memref<128xi32, #tpu.memory_space<vmem>>
        %dma_wait3A_82 = arith.constant 0 : i32
        %dma_wait3A_83 = arith.constant 0 : i32
        %dma_wait3A_84 = tpu.memref_slice %arg2[%dma_wait3A_82, %dma_wait3A_83] : memref<10112x128xf32, #tpu.memory_space<hbm>> -> memref<10112x128xf32, #tpu.memory_space<hbm>>
        tpu.wait_indirect_dma semaphore(%run_scoped3A_72 : memref<!tpu.dma_semaphore, #tpu.memory_space<semaphore_mem>>) src(%dma_wait3A_84 : memref<10112x128xf32, #tpu.memory_space<hbm>>) dst(%arg10 : memref<128x128xf32, #tpu.memory_space<vmem>>)
        tpu.yield
      }) : () -> ()
      %add3A_64 = arith.constant 1 : i32
      %add3A_65 = arith.addi %sub3A, %add3A_64 : i32
      %dma_start3A_66 = arith.constant 0 : i32
      %dma_start3A_67 = tpu.memref_slice %arg8[%add3A_65, %dma_start3A_66] : memref<40x128xi32, #tpu.memory_space<vmem>> -> memref<1x128xi32, #tpu.memory_space<vmem>>
      %dma_start3A_68 = tpu.memref_squeeze %dma_start3A_67 : memref<1x128xi32, #tpu.memory_space<vmem>> -> memref<128xi32, #tpu.memory_space<vmem>>
      %dma_start3A_69 = arith.constant 0 : i32
      %dma_start3A_70 = arith.constant 0 : i32
      %dma_start3A_71 = tpu.memref_slice %arg13[%dma_start3A_69, %dma_start3A_70] : memref<10112x128xf32, #tpu.memory_space<vmem_shared>> -> memref<10112x128xf32, #tpu.memory_space<vmem_shared>>
      tpu.enqueue_indirect_dma source(%arg10 : memref<128x128xf32, #tpu.memory_space<vmem>>) target(%dma_start3A_71 : memref<10112x128xf32, #tpu.memory_space<vmem_shared>>) offsets(%dma_start3A_68 : memref<128xi32, #tpu.memory_space<vmem>>) semaphore(%arg12 : memref<!tpu.dma_semaphore, #tpu.memory_space<semaphore_mem>>) {add = true}
    }
    %scan3A_9 = arith.constant 40 : i32
    %dma_wait3A = arith.constant 0 : i32
    %dma_wait3A_10 = arith.constant 0 : i32
    %dma_wait3A_11 = tpu.memref_slice %arg8[%dma_wait3A, %dma_wait3A_10] : memref<40x128xi32, #tpu.memory_space<vmem>> -> memref<1x128xi32, #tpu.memory_space<vmem>>
    %dma_wait3A_12 = tpu.memref_squeeze %dma_wait3A_11 : memref<1x128xi32, #tpu.memory_space<vmem>> -> memref<128xi32, #tpu.memory_space<vmem>>
    %dma_wait3A_13 = arith.constant 0 : i32
    %dma_wait3A_14 = arith.constant 0 : i32
    %dma_wait3A_15 = tpu.memref_slice %arg13[%dma_wait3A_13, %dma_wait3A_14] : memref<10112x128xf32, #tpu.memory_space<vmem_shared>> -> memref<10112x128xf32, #tpu.memory_space<vmem_shared>>
    tpu.wait_indirect_dma semaphore(%arg11 : memref<!tpu.dma_semaphore, #tpu.memory_space<semaphore_mem>>) src(%arg9 : memref<128x128xf32, #tpu.memory_space<vmem>>) dst(%dma_wait3A_15 : memref<10112x128xf32, #tpu.memory_space<vmem_shared>>)
    %dma_wait3A_16 = arith.constant 1 : i32
    %dma_wait3A_17 = arith.constant 0 : i32
    %dma_wait3A_18 = tpu.memref_slice %arg8[%dma_wait3A_16, %dma_wait3A_17] : memref<40x128xi32, #tpu.memory_space<vmem>> -> memref<1x128xi32, #tpu.memory_space<vmem>>
    %dma_wait3A_19 = tpu.memref_squeeze %dma_wait3A_18 : memref<1x128xi32, #tpu.memory_space<vmem>> -> memref<128xi32, #tpu.memory_space<vmem>>
    %dma_wait3A_20 = arith.constant 0 : i32
    %dma_wait3A_21 = arith.constant 0 : i32
    %dma_wait3A_22 = tpu.memref_slice %arg13[%dma_wait3A_20, %dma_wait3A_21] : memref<10112x128xf32, #tpu.memory_space<vmem_shared>> -> memref<10112x128xf32, #tpu.memory_space<vmem_shared>>
    tpu.wait_indirect_dma semaphore(%arg12 : memref<!tpu.dma_semaphore, #tpu.memory_space<semaphore_mem>>) src(%arg10 : memref<128x128xf32, #tpu.memory_space<vmem>>) dst(%dma_wait3A_22 : memref<10112x128xf32, #tpu.memory_space<vmem_shared>>)
    %barrier3A_23 = arith.constant 0 : index
    tpu.barrier barrier_id(%barrier3A_23)
    %mul3A_24 = arith.constant 632 : i32
    %mul3A_25 = arith.muli %arg1, %mul3A_24 : i32
    %mul3A_26 = arith.constant 632 : i32
    %mul3A_27 = arith.muli %arg1, %mul3A_26 : i32
    "tpu.region"() ({
      %run_scoped3A_28 = tpu.sem_alloc : memref<!tpu.dma_semaphore, #tpu.memory_space<semaphore_mem>>
      %dma_start3A = arith.constant 0 : i32
      %dma_start3A_29 = arith.constant 0 : i32
      %dma_start3A_30 = tpu.memref_slice %arg6[%arg0, %dma_start3A, %dma_start3A_29] : memref<2x10112x128xf32, #tpu.memory_space<hbm>> -> memref<1x10112x128xf32, #tpu.memory_space<hbm>>
      %dma_start3A_31 = tpu.memref_squeeze %dma_start3A_30 : memref<1x10112x128xf32, #tpu.memory_space<hbm>> -> memref<10112x128xf32, #tpu.memory_space<hbm>>
      %dma_start3A_32 = arith.constant 0 : i32
      %dma_start3A_33 = tpu.memref_slice %dma_start3A_31[%mul3A_27, %dma_start3A_32] : memref<10112x128xf32, #tpu.memory_space<hbm>> -> memref<632x128xf32, #tpu.memory_space<hbm>>
      %dma_start3A_34 = arith.constant 0 : i32
      %dma_start3A_35 = tpu.memref_slice %arg13[%mul3A_25, %dma_start3A_34] : memref<10112x128xf32, #tpu.memory_space<vmem_shared>> -> memref<632x128xf32, #tpu.memory_space<vmem_shared>>
      tpu.enqueue_dma source(%dma_start3A_35 : memref<632x128xf32, #tpu.memory_space<vmem_shared>>) target(%dma_start3A_33 : memref<632x128xf32, #tpu.memory_space<hbm>>) target_semaphore(%run_scoped3A_28 : memref<!tpu.dma_semaphore, #tpu.memory_space<semaphore_mem>>)
      %dma_wait3A_36 = arith.constant 0 : i32
      %dma_wait3A_37 = arith.constant 0 : i32
      %dma_wait3A_38 = tpu.memref_slice %arg6[%arg0, %dma_wait3A_36, %dma_wait3A_37] : memref<2x10112x128xf32, #tpu.memory_space<hbm>> -> memref<1x10112x128xf32, #tpu.memory_space<hbm>>
      %dma_wait3A_39 = tpu.memref_squeeze %dma_wait3A_38 : memref<1x10112x128xf32, #tpu.memory_space<hbm>> -> memref<10112x128xf32, #tpu.memory_space<hbm>>
      %dma_wait3A_40 = arith.constant 0 : i32
      %dma_wait3A_41 = tpu.memref_slice %dma_wait3A_39[%mul3A_27, %dma_wait3A_40] : memref<10112x128xf32, #tpu.memory_space<hbm>> -> memref<632x128xf32, #tpu.memory_space<hbm>>
      %dma_wait3A_42 = arith.constant 0 : i32
      %dma_wait3A_43 = tpu.memref_slice %arg13[%mul3A_25, %dma_wait3A_42] : memref<10112x128xf32, #tpu.memory_space<vmem_shared>> -> memref<632x128xf32, #tpu.memory_space<vmem_shared>>
      tpu.wait_dma2 semaphore(%run_scoped3A_28 : memref<!tpu.dma_semaphore, #tpu.memory_space<semaphore_mem>>) src(%dma_wait3A_43 : memref<632x128xf32, #tpu.memory_space<vmem_shared>>) dst(%dma_wait3A_41 : memref<632x128xf32, #tpu.memory_space<hbm>>)
      tpu.yield
    }) : () -> ()
    return
  }
}

</mosaic_0001>

<sc_bundles>
// kernel: _aggr_sc.3.cloned.1.call-start
scs
__scs_entry_jumppad:
0x0: {  	(pc) =	sbr.rel $0x88, $3  }
0x1: {  	(tag) =	ssettag $0x0;
	lr =	simm.s32 $0x1  }
0x2: {  	[smem:$0x3F9D] =	sst lr;
	_ =	strace $0xD0000000  }
0x3: {  	_ = 	snop  }
0x4: {  	_ = 	snop  }
0x5: {  	_ = 	snop  }
0x6: {  	_ = 	snop  }
0x7: {  	_ = 	snop  }
__scs_overlays_trampoline_lowered:
0x8: {  	[smem:$0x3FAC] =	sst s0  }
0x9: {  	[smem:$0x3FAD] =	sst s1  }
0xa: {  	[smem:$0x3FAE] =	sst s2  }
0xb: {  	[smem:$0x3FAF] =	sst s3  }
0xc: {  	[smem:$0x3FB0] =	sst s4  }
0xd: {  	[smem:$0x3FB1] =	sst s5  }
0xe: {  	[smem:$0x3FB2] =	sst s6  }
0xf: {  	[smem:$0x3FB3] =	sst s7  }
0x10: {  	[smem:$0x3FB4] =	sst s8  }
0x11: {  	[smem:$0x3FB5] =	sst s9;
	s0 =	simm.s32 @!p0 $0x0  }
0x12: {  	s1 =	sld [smem:$0x3F9B];
	s0 =	simm.s32 @p0 $0x1  }
0x13: {  	[smem:$0x3FB6] =	sst s0;
	s0 =	simm.s32 @!p1 $0x0  }
0x14: {  	s2 =	sld [smem:$0x3F9A];
	s0 =	simm.s32 @p1 $0x1  }
0x15: {  	[smem:$0x3FB7] =	sst s0;
	s0 =	simm.s32 @!p2 $0x0  }
0x16: {  	s3 =	sld [smem:$0x3FDB];
	s0 =	simm.s32 @p2 $0x1  }
0x17: {  	s4 =	simm.s32 $0x1BF5;
	[smem:$0x3FB9] =	sst s0  }
0x18: {  	s0 =	sld [smem:$0x3F9C];
	_ =	swait.ge [sflag:s4], $0x0  }
0x19: {  	s7 =	sld [smem:$0x3F9D]  }
0x1a: {  	s8 =	sadd.s32 $0xFFFFE003, lr  }
0x1b: {  	s9 =	sadd.s32 $0xFFFFFEF7, lr;
	s5 =	simm.s32 $0xFFFFFFFF;
	p2 =	slt.u32 s8, $0xFFFFF086  }
0x1c: {  	p1 =	slt.u32 s9, $0xF7A;
	s5 =	simm.s32 @!p2 $0x0  }
0x1d: {  	s5 =	simm.s32 @p1 $0x1;
	p0 =	seq.s32 s7, s2  }
0x1e: {  	s7 =	smul.u32 @!p0 $0xF7A, s2;
	p2 =	seq.s32 @!p0 s5, $0x0  }
0x1f: {  	s9 =	smul.u32 $0xF7A, s1;
	s8 =	simm.s32 @!p0 $0x1BF5;
	p2 =	por !p2, p0  }
0x20: {  	[sflag:s8] =	ssyncset.s32 @!p0 $0xFFFFF086;
	s6 =	sadd.s32 @!p0 s3, s7;
	s7 =	simm.s32 @!p0 $0x108  }
0x21: {  	s3 =	sadd.s32 s3, s9;
	s6 =	sadd.s32 @!p0 $0x88, s6;
	s7 =	simm.s32 @p2 $0x1082  }
0x22: {  	[simem:s7], [sflag:s8] =	dma.local @!p0 [hbm:s6], $0xF7A  }
0x23: {  	s9 =	sor.u32 $0xD0000000, s2;
	s6 =	simm.s32 $0x108;
	_ =	swait.ge @!p0 [sflag:s8], $0x0  }
0x24: {  	s3 =	sadd.s32 $0x88, s3;
	s6 =	simm.s32 @!p1 $0x1082;
	[sflag:s4] =	ssyncset.s32 $0xFFFFF086  }
0x25: {  	[simem:s6], [sflag:s4] =	dma.local [hbm:s3], $0xF7A  }
0x26: {  	[smem:$0x3F9D] =	sst s1;
	(tag) =	ssettag s2;
	_ =	strace s9  }
0x27: {  	s1 =	sld [smem:$0x3FAD]  }
0x28: {  	s2 =	sld [smem:$0x3FAE]  }
0x29: {  	s4 =	sld [smem:$0x3FB0]  }
0x2a: {  	p0 =	seq.s32 s5, $0x0;
	s5 =	sld [smem:$0x3FB1]  }
0x2b: {  	s6 =	sld [smem:$0x3FB2]  }
0x2c: {  	s7 =	sld [smem:$0x3FB3]  }
0x2d: {  	s3 =	simm.s32 $0x108;
	s8 =	sld [smem:$0x3FB4]  }
0x2e: {  	s3 =	simm.s32 @!p0 $0x1082;
	s9 =	sld [smem:$0x3FB5]  }
0x2f: {  	lr =	sadd.s32 s0, s3;
	s0 =	sld [smem:$0x3FAC]  }
0x30: {  	s3 =	sld [smem:$0x3FAF]  }
0x31: {  	[smem:$0x3FB8] =	sst s10  }
0x32: {  	s10 =	sld [smem:$0x3FB6];
	_ =	sdelay $0x3  }
0x33: {  	p0 =	seq.s32 s10, $0x1;
	s10 =	sld [smem:$0x3FB8];
	_ =	sdelay $0x3  }
0x34: {  	[smem:$0x3FB8] =	sst s10  }
0x35: {  	s10 =	sld [smem:$0x3FB7];
	_ =	sdelay $0x3  }
0x36: {  	p1 =	seq.s32 s10, $0x1;
	s10 =	sld [smem:$0x3FB8];
	_ =	sdelay $0x3  }
0x37: {  	[smem:$0x3FB8] =	sst s10  }
0x38: {  	s10 =	sld [smem:$0x3FB9]  }
0x39: {  	_ = 	snop;
	(pc) =	sbr.ind lr, $3  }
0x3a: {  	_ = 	snop  }
0x3b: {  	_ = 	snop  }
0x3c: {  	p2 =	seq.s32 s10, $0x1;
	s10 =	sld [smem:$0x3FB8]  }
0x3d: {  	_ =	shalt  }
0x3e: {  	_ =	shalt  }
0x3f: {  	_ =	shalt  }
0x40: {  	_ =	shalt  }
0x41: {  	_ =	shalt  }
0x42: {  	_ =	shalt  }
0x43: {  	_ =	shalt  }
0x44: {  	_ =	shalt  }
0x45: {  	_ =	shalt  }
0x46: {  	_ =	shalt  }
0x47: {  	_ =	shalt  }
0x48: {  	_ =	shalt  }
0x49: {  	_ =	shalt  }
0x4a: {  	_ =	shalt  }
0x4b: {  	_ =	shalt  }
0x4c: {  	_ =	shalt  }
0x4d: {  	_ =	shalt  }
0x4e: {  	_ =	shalt  }
0x4f: {  	_ =	shalt  }
0x50: {  	_ =	shalt  }
0x51: {  	_ =	shalt  }
0x52: {  	_ =	shalt  }
0x53: {  	_ =	shalt  }
0x54: {  	_ =	shalt  }
0x55: {  	_ =	shalt  }
0x56: {  	_ =	shalt  }
0x57: {  	_ =	shalt  }
0x58: {  	_ =	shalt  }
0x59: {  	_ =	shalt  }
0x5a: {  	_ =	shalt  }
0x5b: {  	_ =	shalt  }
0x5c: {  	_ =	shalt  }
0x5d: {  	_ =	shalt  }
0x5e: {  	_ =	shalt  }
0x5f: {  	_ =	shalt  }
0x60: {  	_ =	shalt  }
0x61: {  	_ =	shalt  }
0x62: {  	_ =	shalt  }
0x63: {  	_ =	shalt  }
0x64: {  	_ =	shalt  }
0x65: {  	_ =	shalt  }
0x66: {  	_ =	shalt  }
0x67: {  	_ =	shalt  }
0x68: {  	_ =	shalt  }
0x69: {  	_ =	shalt  }
0x6a: {  	_ =	shalt  }
0x6b: {  	_ =	shalt  }
0x6c: {  	_ =	shalt  }
0x6d: {  	_ =	shalt  }
0x6e: {  	_ =	shalt  }
0x6f: {  	_ =	shalt  }
0x70: {  	_ =	shalt  }
0x71: {  	_ =	shalt  }
0x72: {  	_ =	shalt  }
0x73: {  	_ =	shalt  }
0x74: {  	_ =	shalt  }
0x75: {  	_ =	shalt  }
0x76: {  	_ =	shalt  }
0x77: {  	_ =	shalt  }
0x78: {  	_ =	shalt  }
0x79: {  	_ =	shalt  }
0x7a: {  	_ =	shalt  }
0x7b: {  	_ =	shalt  }
0x7c: {  	_ =	shalt  }
0x7d: {  	_ =	shalt  }
0x7e: {  	_ =	shalt  }
0x7f: {  	_ =	shalt  }
0x80: {  	_ =	shalt  }
0x81: {  	_ =	shalt  }
0x82: {  	_ =	shalt  }
0x83: {  	_ =	shalt  }
0x84: {  	_ =	shalt  }
0x85: {  	_ =	shalt  }
0x86: {  	_ =	shalt  }
0x87: {  	_ =	shalt  }
.Lfunc_end0:
.L_simem_size_0:
called_computation_lowered:
.L_overlay_start_0:
0x88: {  	s2 =	sld [smem:$0x3FD9]  }
0x89: {  	s3 =	sld [smem:$0x3FFE];
	_ =	sdelay $0x1  }
0x8a: {  	s1 =	srdreg.scid  }
0x8b: {  	s0 =	sand.u32 $0x1, s1  }
0x8c: {  	s18 =	sshll.u32 s0, $0xA;
	s2 =	sadd.s32 s3, s2  }
0x8d: {  	s2 =	sadd.s32 s2, s18  }
0x8e: {  	[smem:$0x3FC4] =	sst s2  }
0x8f: {  	_ = 	snop  }
0x90: {  	s2 =	sld [smem:$0x3FC9]  }
0x91: {  	s19 =	sld [smem:$0x3FC8]  }
0x92: {  	s4 =	sld [smem:$0x3FC7]  }
0x93: {  	s5 =	sld [smem:$0x3FC6]  }
0x94: {  	s6 =	sld [smem:$0x3FD0];
	(tm) =	ssettm $0x1  }
0x95: {  	s7 =	sld [smem:$0x3FFB];
	_ =	sdelay $0x3  }
0x96: {  	_ =	strace s7  }
0x97: {  	s7 =	sld [smem:$0x3FFC];
	_ =	sdelay $0x3  }
0x98: {  	_ =	strace s7  }
0x99: {  	s7 =	sld [smem:$0x3FFD];
	_ =	sdelay $0x3  }
0x9a: {  	_ =	strace s7  }
0x9b: {  	_ =	strace $0x8FFFFFFF  }
0x9c: {  	s20 =	sld [smem:$0x3FDB];
	_ =	sdelay $0x1  }
0x9d: {  	s8 =	simm.s32 $_scs_section_size  }
0x9e: {  	s9 =	simm.s32 $_size__tile_overlayer_lowered;
	s10 =	simm.s32 $_tile_overlayer_lowered  }
0x9f: {  	s23 =	simm.s32 $0x1BFF;
	s22 =	sshll.u32 s10, $0x1;
	s7 =	sadd.s32 s8, s20  }
0xa0: {  	s11 =	simm.s32 $0x0;
	s21 =	sshll.u32 s9, $0x1;
	s9 =	sadd.s32 s22, s7  }
0xa1: {  	[timem:s11], [sflag:s23] =	dma.local [hbm:s9], s21  }
0xa2: {  	_ =	swait.ge [sflag:s23], s21  }
0xa3: {  	s8 =	ssub.s32 $0x0, s21;
	[sflag:s23] =	ssyncset.done $0x0  }
0xa4: {  	[sflag:s23] =	ssyncadd.s32 s8;
	_ =	sdelay $0x1  }
0xa5: {  	s24 =	simm.s32 $0x1B8B  }
0xa6: {  	_ =	swait.ge [sflag:s24], $0x1  }
0xa7: {  	[sflag:s24] =	ssyncset.done $0x0  }
0xa8: {  	s25 =	simm.s32 $0x1B8E;
	[sflag:s24] =	ssyncadd.s32 $0xFFFFFFFF  }
0xa9: {  	s26 =	simm.s32 $execute0_lowered;
	[smem:$0x3FD2] =	sst s25  }
0xaa: {  	s8 =	sshll.u32 s26, $0x1;
	_ =	strace $0x80000046;
	[dreg:$0x1] =	wrdreg $0xFFFFFFFF  }
0xab: {  	s28 =	simm.s32 $_size_execute0_lowered;
	s7 =	sadd.s32 s7, s8;
	[dreg:$0x0] =	wrdreg $0x0  }
0xac: {  	s8 =	sshll.u32 s28, $0x1;
	[dreg:$0x2] =	wrdreg s7  }
0xad: {  	[dreg:$0x3] =	wrdreg s8  }
0xae: {  	[dreg:$0x4] =	wrdreg $0xC0  }
0xaf: {  	_ =	task [dreg:s11], $0x5FFFF  }
0xb0: {  	[dreg:$0x1] =	wrdreg $0xFFFFFFFF  }
0xb1: {  	[dreg:$0x0] =	wrdreg $0x60  }
0xb2: {  	[dreg:$0x2] =	wrdreg s2  }
0xb3: {  	[dreg:$0x3] =	wrdreg s19  }
0xb4: {  	[dreg:$0x4] =	wrdreg s4  }
0xb5: {  	[dreg:$0x5] =	wrdreg s5  }
0xb6: {  	[dreg:$0x6] =	wrdreg s6  }
0xb7: {  	[dreg:$0x7] =	wrdreg $0xA8000  }
0xb8: {  	[dreg:$0x8] =	wrdreg $0x9  }
0xb9: {  	_ =	task.clear_ibuf [dreg:s11], $0x9FFFF;
	_ =	strace $0x90000046  }
0xba: {  	s29 =	simm.s32 $0x9;
	_ =	strace $0x80000048  }
0xbb: {  	_ =	swait.ge [sflag:s29], $0x1  }
0xbc: {  	[sflag:s29] =	ssyncadd.s32 $0xFFFFFFFF  }
0xbd: {  	_ =	strace $0x90000048  }
0xbe: {  	_ =	sfence  }
0xbf: {  	s30 =	sld [smem:$0x0];
	_ =	sdelay $0x2  }
0xc0: {  	s31 =	sshll.u32 s1, $0xD;
	s1 =	sshrl.u32 s1, $0x2  }
0xc1: {  	s3 =	sand.u32 $0x4000, s31;
	s1 =	sadd.s32 s1, s30  }
0xc2: {  	s0 =	sor.u32 s3, s0;
	s1 =	sshll.u32 s1, $0x11  }
0xc3: {  	s0 =	sor.u32 s1, s0  }
0xc4: {  	s0 =	sadd.s32 $0x8F2B, s0  }
0xc5: {  	[sflag:s0] =	ssyncadd.remote.s32 $0x1  }
0xc6: {  	_ =	sfence.sel $0xFFFF  }
0xc7: {  	[dreg:$0x0] =	wrdreg $0xFFFFFFFF;
	(pc) =	sbr.abs _section_cstart, $3  }
0xc8: {  	[dreg:$0x1] =	wrdreg $0xFFFFFFFF  }
0xc9: {  	_ =	task.clear_ibuf [dreg:s11], $0x2FFFF;
	_ =	strace $0x9FFFFFFF  }
0xca: {  	(tm) =	ssettm $0x7FFFFFFF  }
0xcb: {  	_ =	shalt  }
tec
execute0_lowered:
.L_overlay_start_1:
0x0: {  	(tag) =	ssettag $0x1  }
0x1: {  	s1 =	rddreg [dreg:$0x0]  }
0x2: {  	s7 =	rddreg [dreg:$0x1]  }
0x3: {  	s8 =	rddreg [dreg:$0x2]  }
0x4: {  	s5 =	rddreg [dreg:$0x3]  }
0x5: {  	s9 =	rddreg [dreg:$0x4]  }
0x6: {  	s2 =	rddreg [dreg:$0x5]  }
0x7: {  	s0 =	rddreg [dreg:$0x6];
	s4 =	simm.s32 $0x0  }
0x8: {  	s6 =	srdreg.scid;
	s3 =	stileid.u32;
	s15 =	simm.s32 $0x80  }
0x9: {  	s16 =	simm.s32 $0x2800;
	s17 =	simm.s32 $0x6800;
	s18 =	simm.s32 $0x1  }
0xa: {  	s19 =	simm.s32 $0x2;
	[smem:$0x7FF] =	sst s4;
	s11 =	smul.u32 $0x4F000, s3  }
0xb: {  	s6 =	sand.u32 $0x1, s6;
	s20 =	smul.u32 $0x2780, s3;
	s31 =	sshll.u32 s3, $0x6  }
0xc: {  	_ =	strace $0x80000047;
	s10 =	ssub.s32 $0x2, s6;
	s12 =	sshll.u32 s6, $0x4  }
0xd: {  	s14 =	smul.u32 $0x27800, s6;
	s6 =	sor.u32 $0x1C03, s31;
	s12 =	sor.u32 s3, s12  }
0xe: {  	s13 =	sshrl.u32 s10, $0x1;
	s11 =	sshrl.u32 s11, $0x2;
	s12 =	smul.u32 $0x500, s12  }
.Ltmp0:
0xf: {  	s5 =	sadd.s32 s5, s20;
	s10 =	ssub.s32 s10, s13;
	(pc) =	sbr.rel .LBB2_1-.Ltmp0, $4  }
0x10: {  	s11 =	sadd.s32 s11, s2;
	s21 =	sadd.s32 s9, s14;
	s9 =	smax.u32 s10, $0x1  }
0x11: {  	s10 =	sshrl.u32 s11, $0x3;
	s11 =	simm.s32 $0x3;
	s20 =	sadd.s32 s20, s21  }
0x12: {  	s21 =	simm.s32 $0x0;
	s7 =	sadd.s32 s7, s12;
	s8 =	sadd.s32 s8, s12  }
0x13: {  	s12 =	simm.s32 $0x1400;
	s13 =	sadd.s32 $0x280, s7;
	s14 =	sadd.s32 $0x280, s8  }
.LBB2_8:
0x14: {  	_ =	swait.ge [sflag:s18], $0x4000  }
0x15: {  	[sflag:s18] =	ssyncset.done $0x0  }
0x16: {  	[sflag:s18] =	ssyncadd.s32 $0xFFFFC000  }
0x17: {  	_ =	swait.ge [sflag:s19], $0x4000  }
0x18: {  	s21 =	sadd.s32 $0x1, s21;
	[sflag:s19] =	ssyncset.done $0x0  }
0x19: {  	p0 =	sne.s32 s21, s9;
	[sflag:s19] =	ssyncadd.s32 $0xFFFFC000  }
.Ltmp1:
0x1a: {  	[bflag:$0x0] =	sbarrier.arrive $0xFFFF;
	(pc) =	sbr.rel @!p0 .LBB2_9-.Ltmp1, $4  }
0x1b: {  	[hbm:s20], [sflag:s6] =	dma.local [spmem:s10], $0x2780  }
0x1c: {  	_ =	swait.ge [sflag:s11], $0x2780  }
0x1d: {  	[sflag:s11] =	ssyncset.done $0x0  }
0x1e: {  	[sflag:s11] =	ssyncadd.s32 $0xFFFFD880  }
.LBB2_1:
0x1f: {  	[spmem:s10], [sflag:s6] =	dma.local [hbm:s5], $0x2780  }
0x20: {  	_ =	swait.ge [sflag:s11], $0x2780  }
0x21: {  	[sflag:s11] =	ssyncset.done $0x0  }
0x22: {  	[sflag:s11] =	ssyncadd.s32 $0xFFFFD880  }
0x23: {  	[tilespmem:s4], [sflag:$0x3] =	stream.linear.gather [hbm4b:s7+s4], $0x1400, $0x38;
	[tilespmem:$0x1E400] =	vst v63  }
0x24: {  	_ =	swait.ge [sflag:s11], $0x1400  }
0x25: {  	[sflag:s11] =	ssyncset.done $0x0  }
0x26: {  	[sflag:s11] =	ssyncadd.s32 $0xFFFFEC00  }
0x27: {  	[tilespmem:s12], [sflag:$0x3] =	stream.linear.gather [hbm4b:s8+s4], $0x1400, $0x38;
	[tilespmem:$0x1E400] =	vst v63  }
.Ltmp2:
0x28: {  	_ =	swait.ge [sflag:s11], $0x1400;
	(pc) =	sbr.rel .LBB2_2-.Ltmp2, $4  }
0x29: {  	[sflag:s11] =	ssyncset.done $0x0  }
0x2a: {  	[sflag:s11] =	ssyncadd.s32 $0xFFFFEC00  }
0x2b: {  	[bflag:$0x0] =	sbarrier.arrive $0xFFFF  }
0x2c: {  	s22 =	simm.s32 $0x0;
	s23 =	simm.s32 $0x0  }
.LBB2_4:
0x2d: {  	_ =	swait.ge [sflag:s18], $0x4000  }
0x2e: {  	[sflag:s18] =	ssyncset.done $0x0  }
0x2f: {  	[sflag:s18] =	ssyncadd.s32 $0xFFFFC000  }
0x30: {  	_ =	swait.ge [sflag:s19], $0x4000  }
0x31: {  	[sflag:s19] =	ssyncset.done $0x0  }
0x32: {  	[sflag:s19] =	ssyncadd.s32 $0xFFFFC000  }
0x33: {  	[tilespmem:s4], [sflag:$0x3] =	stream.linear.gather [hbm4b:s13+s4], $0x1400, $0x38;
	[tilespmem:$0x1E400] =	vst v63  }
0x34: {  	_ =	swait.ge [sflag:s11], $0x1400  }
0x35: {  	[sflag:s11] =	ssyncset.done $0x0  }
0x36: {  	[sflag:s11] =	ssyncadd.s32 $0xFFFFEC00  }
0x37: {  	[tilespmem:s12], [sflag:$0x3] =	stream.linear.gather [hbm4b:s14+s4], $0x1400, $0x38;
	[tilespmem:$0x1E400] =	vst v63  }
0x38: {  	_ =	swait.ge [sflag:s11], $0x1400  }
0x39: {  	[sflag:s11] =	ssyncset.done $0x0  }
0x3a: {  	[sflag:s11] =	ssyncadd.s32 $0xFFFFEC00  }
.LBB2_5:
0x3b: {  	[tilespmem:s16], [sflag:$0x3] =	stream.indirect.gather [hbm4b:s1+s15], $0x80, s24, s15, $0xb8;
	[tilespmem:$0x1E400] =	vst v63  }
0x3c: {  	_ =	swait.ge [sflag:s11], $0x4000  }
0x3d: {  	[sflag:s11] =	ssyncset.done $0x0  }
0x3e: {  	s25 =	sadd.s32 $0x1400, s24;
	[sflag:s11] =	ssyncadd.s32 $0xFFFFC000  }
0x3f: {  	[spmem:s2] =	stream.indirect.scatter.add.f32 [tilespmem:s16], [sflag:$0x1], $0x80, s25, s15, $0xb8;
	[tilespmem:$0x1E400] =	vst v63  }
.LBB2_7:
0x40: {  	s25 =	sadd.s32 $0x80, s24;
	s23 =	sadd.s32 $0x1, s23  }
0x41: {  	[tilespmem:s17], [sflag:$0x3] =	stream.indirect.gather [hbm4b:s1+s15], $0x80, s25, s15, $0xb8;
	[tilespmem:$0x1E400] =	vst v63  }
0x42: {  	p0 =	sne.s32 s23, $0x28  }
.Ltmp3:
0x43: {  	_ = 	snop;
	(pc) =	sbr.rel @!p0 .LBB2_8-.Ltmp3, $4  }
0x44: {  	_ =	swait.ge [sflag:s11], $0x4000  }
0x45: {  	[sflag:s11] =	ssyncset.done $0x0  }
0x46: {  	s31 =	sadd.s32 $0x1480, s24;
	s22 =	sadd.s32 $0x100, s22;
	[sflag:s11] =	ssyncadd.s32 $0xFFFFC000  }
0x47: {  	[spmem:s2] =	stream.indirect.scatter.add.f32 [tilespmem:s17], [sflag:$0x2], $0x80, s31, s15, $0xb8;
	[tilespmem:$0x1E400] =	vst v63  }
.LBB2_2:
0x48: {  	p0 =	sgt.u32 s23, $0x13;
	s24 =	simm.s32 $0xFFFFEC00  }
0x49: {  	s24 =	simm.s32 @!p0 $0x0;
	p0 =	seq.s32 s23, $0x0  }
.Ltmp4:
0x4a: {  	_ = 	snop;
	(pc) =	sbr.rel @p0 .LBB2_5-.Ltmp4, $2  }
0x4b: {  	_ =	sdelay $0x2  }
0x4c: {  	s24 =	sadd.s32 s22, s24  }
0x4d: {  	p0 =	sne.s32 s23, $0x14  }
.Ltmp5:
0x4e: {  	_ = 	snop;
	(pc) =	sbr.rel @!p0 .LBB2_4-.Ltmp5, $1  }
0x4f: {  	_ =	sdelay $0x3  }
0x50: {  	_ =	swait.ge [sflag:s18], $0x4000  }
0x51: {  	[sflag:s18] =	ssyncset.done $0x0  }
0x52: {  	[sflag:s18] =	ssyncadd.s32 $0xFFFFC000  }
0x53: {  	[tilespmem:s16], [sflag:$0x3] =	stream.indirect.gather [hbm4b:s1+s15], $0x80, s24, s15, $0xb8;
	[tilespmem:$0x1E400] =	vst v63  }
0x54: {  	_ =	swait.ge [sflag:s11], $0x4000  }
0x55: {  	[sflag:s11] =	ssyncset.done $0x0  }
.Ltmp6:
0x56: {  	s25 =	sadd.s32 $0x1400, s24;
	[sflag:s11] =	ssyncadd.s32 $0xFFFFC000;
	(pc) =	sbr.rel .LBB2_7-.Ltmp6, $4  }
0x57: {  	[spmem:s2] =	stream.indirect.scatter.add.f32 [tilespmem:s16], [sflag:$0x1], $0x80, s25, s15, $0xb8;
	[tilespmem:$0x1E400] =	vst v63  }
0x58: {  	_ =	swait.ge [sflag:s19], $0x4000  }
0x59: {  	[sflag:s19] =	ssyncset.done $0x0  }
0x5a: {  	[sflag:s19] =	ssyncadd.s32 $0xFFFFC000  }
.LBB2_9:
0x5b: {  	_ =	sfence.sel $0x180000  }
0x5c: {  	[bflag:$0x0] =	sbarrier.arrive $0xFFFF  }
0x5d: {  	p0 =	sne.s32 s3, $0x0;
	_ =	strace $0x90000047  }
0x5e: {  	s0 =	sadd.s32 @!p0 $0x100000, s0;
	[bflag:$0x2] =	sbarrier.arrive $0xFFFF  }
0x5f: {  	[sflag:s0] =	ssyncadd.tile.s32 @!p0 $0x1;
	_ =	shalt  }
.Lfunc_end2:
_tile_overlayer_lowered:
.L_overlay_start_2:
0x60: {  	(tag) =	ssettag $0x2  }
0x61: {  	s0 =	rddreg [dreg:$0x0];
	s2 =	stileid.u32  }
0x62: {  	s1 =	rddreg [dreg:$0x1];
	p0 =	sne.s32 s2, $0x0  }
0x63: {  	s3 =	rddreg [dreg:$0x2];
	[bflag:$0x3] =	sbarrier.arrive $0xFFFF;
	s2 =	simm.s32 @!p0 $0x1C03  }
0x64: {  	[timem:s3], [sflag:s2] =	dma.local @!p0 [hbm:s0], s1  }
0x65: {  	s0 =	simm.s32 @!p0 $0x3  }
0x66: {  	_ =	swait.ge @!p0 [sflag:s0], s1  }
0x67: {  	s1 =	ssub.s32 @!p0 $0x0, s1;
	[sflag:s0] =	ssyncset.done @!p0 $0x0  }
0x68: {  	[sflag:s0] =	ssyncadd.s32 @!p0 s1  }
0x69: {  	[bflag:$0x3] =	sbarrier.arrive $0xFFFF  }
0x6a: {  	_ =	shalt  }

</sc_bundles>
